<compile_context>
chip_gen: v7x
topology: tpu7x:2x2x1
jax: 0.10.2.dev20260603
libtpu: 0.0.44.dev20260713+nightly
codegen_flags: <defaults>
</compile_context>

<pallas_src>
import functools

import jax
import jax.numpy as jnp
from jax import lax
from jax.experimental import pallas as pl
from jax.experimental.pallas import tpu as pltpu
from jax.experimental.pallas import tpu_sc as plsc

D = 128
SEQ = 50
SEQ_PAD = 56
CHUNK = 128
NBUF = 4
AHEAD = 2
NW = 32
NREP = 16


@functools.partial(jax.jit, static_argnames=("n_chunks",))
def _sc_gather(table, idx, n_chunks):
    rows_per_w = n_chunks * CHUNK
    n_outer = n_chunks // NBUF
    assert n_outer * NBUF == n_chunks
    mesh = plsc.VectorSubcoreMesh(core_axis_name="c", subcore_axis_name="s")

    @functools.partial(
        pl.kernel,
        mesh=mesh,
        out_type=jax.ShapeDtypeStruct((NW * rows_per_w, D), jnp.float32),
        scratch_types=(
            [pltpu.VMEM((n_chunks, CHUNK), jnp.int32),
             pltpu.VMEM((NBUF, CHUNK, D), jnp.float32)]
            + [pltpu.SemaphoreType.DMA] * (2 * NBUF)
        ),
    )
    def k(table_hbm, idx_hbm, out_hbm, idx_v, rows_v, *sems):
        gsem = sems[:NBUF]
        osem = sems[NBUF:]
        wid = lax.axis_index("s") * 2 + lax.axis_index("c")
        base = wid * rows_per_w
        pltpu.sync_copy(idx_hbm.at[wid], idx_v)

        def gather(g, slot):
            return pltpu.make_async_copy(
                table_hbm.at[idx_v.at[g]], rows_v.at[slot], gsem[slot])

        def out_copy(slot, g):
            return pltpu.make_async_copy(
                rows_v.at[slot],
                out_hbm.at[pl.ds(base + g * CHUNK, CHUNK)],
                osem[slot])

        for h in range(AHEAD):
            gather(h, h).start()

        def body(t, carry):
            for b in range(NBUF):
                g = t * NBUF + b
                sh = (b + AHEAD) % NBUF
                h = g + AHEAD

                @pl.when(h < n_chunks)
                def _():
                    @pl.when(h >= NBUF)
                    def _():
                        out_copy(sh, 0).wait()
                    gather(h, sh).start()

                gather(g, b).wait()
                out_copy(b, g).start()
            return carry

        lax.fori_loop(0, n_outer, body, 0)

        for b in range(NBUF):
            out_copy(b, 0).wait()

    return k(table, idx)


def kernel(indices, embed_weight):
    bsz, seq = indices.shape
    v = embed_weight.shape[0]
    table_rep = jnp.tile(embed_weight, (NREP, 1))
    idx_p = jnp.pad(indices.astype(jnp.int32), ((0, 0), (0, SEQ_PAD - seq)))
    n_chunks = bsz * SEQ_PAD // (NW * CHUNK)
    idx_w = idx_p.reshape(NW, n_chunks, CHUNK)
    rep_off = (jnp.arange(NW, dtype=jnp.int32) % NREP * v).reshape(NW, 1, 1)
    flat = _sc_gather(table_rep, idx_w + rep_off, n_chunks)
    return flat.reshape(bsz, SEQ_PAD, D)[:, :SEQ, :]

# --- scband reference (transcript-rebuilt; emitter-appended) ---
"""Pipeline reference for scband-fixed-atom-embedding-28939489641211 (READ-ONLY COPY).

The authoritative reference and input builder live on the scoring server;
editing this copy changes nothing except your own understanding.
"""

import jax, jax.numpy as jnp
import numpy as np


def setup_inputs(seed: int = 0) -> dict:
    key = jax.random.key(seed)
    k_tab, k_idx = jax.random.split(key)
    # atom_tensors: fixed per-atom feature table (118 chemical elements, 128 features)
    atom_tensors = jax.random.normal(k_tab, (118, 128), dtype=jnp.float32)
    # augment with a zero padding row at index 0 (padding_idx=0), as in __init__
    embed_weight = jnp.concatenate([jnp.zeros((1, 128), dtype=jnp.float32), atom_tensors], axis=0)
    # indices: batch of atom-type ids, values in [0, 119)
    indices = jax.random.randint(k_idx, (4096, 50), 0, 119, dtype=jnp.int64)
    return {"indices": indices, "embed_weight": embed_weight}


def reference(indices, embed_weight):
    # nn.Embedding.from_pretrained(...)(indices) == row gather from the frozen table
    return jnp.take(embed_weight, indices, axis=0)

if __name__ == "__main__":
    import jax
    _d = setup_inputs()
    print(jax.jit(kernel)(*tuple(_d.values())))

</pallas_src>

<mosaic_0001>
#map = affine_map<(d0, d1) -> (0, 0)>
#map1 = affine_map<(d0, d1) -> (0, 0, 0)>
module attributes {stable_mosaic.version = 14 : i64} {
  func.func @k(%arg0: i32, %arg1: i32, %arg2: memref<1904x128xf32, #tpu.memory_space<hbm>>, %arg3: memref<32x56x128xi32, #tpu.memory_space<hbm>>, %arg4: memref<229376x128xf32, #tpu.memory_space<hbm>>, %arg5: memref<56x128xi32, #tpu.memory_space<vmem>>, %arg6: memref<4x128x128xf32, #tpu.memory_space<vmem>>, %arg7: memref<!tpu.dma_semaphore, #tpu.memory_space<semaphore_mem>>, %arg8: memref<!tpu.dma_semaphore, #tpu.memory_space<semaphore_mem>>, %arg9: memref<!tpu.dma_semaphore, #tpu.memory_space<semaphore_mem>>, %arg10: memref<!tpu.dma_semaphore, #tpu.memory_space<semaphore_mem>>, %arg11: memref<!tpu.dma_semaphore, #tpu.memory_space<semaphore_mem>>, %arg12: memref<!tpu.dma_semaphore, #tpu.memory_space<semaphore_mem>>, %arg13: memref<!tpu.dma_semaphore, #tpu.memory_space<semaphore_mem>>, %arg14: memref<!tpu.dma_semaphore, #tpu.memory_space<semaphore_mem>>) attributes {dimension_semantics = [#tpu.dimension_semantics<core_parallel>, #tpu.dimension_semantics<subcore_parallel>], iteration_bounds = array<i64: 2, 16>, scalar_prefetch = 0 : i64, scratch_operands = 10 : i64, tpu.core_type = #tpu.core_type<sc_vector_subcore>, window_params = [{transform_indices = #map}, {transform_indices = #map1}, {transform_indices = #map}]} {
    %mul3A = arith.constant 2 : i32
    %mul3A_0 = arith.muli %arg1, %mul3A : i32
    %add3A = arith.addi %mul3A_0, %arg0 : i32
    %mul3A_1 = arith.constant 7168 : i32
    %mul3A_2 = arith.muli %add3A, %mul3A_1 : i32
    "tpu.region"() ({
      %run_scoped3A = tpu.sem_alloc : memref<!tpu.dma_semaphore, #tpu.memory_space<semaphore_mem>>
      %dma_start3A_90 = arith.constant 0 : i32
      %dma_start3A_91 = arith.constant 0 : i32
      %dma_start3A_92 = tpu.memref_slice %arg3[%add3A, %dma_start3A_90, %dma_start3A_91] : memref<32x56x128xi32, #tpu.memory_space<hbm>> -> memref<1x56x128xi32, #tpu.memory_space<hbm>>
      %dma_start3A_93 = tpu.memref_squeeze %dma_start3A_92 : memref<1x56x128xi32, #tpu.memory_space<hbm>> -> memref<56x128xi32, #tpu.memory_space<hbm>>
      %dma_start3A_94 = arith.constant 0 : i32
      %dma_start3A_95 = arith.constant 0 : i32
      %dma_start3A_96 = tpu.memref_slice %arg3[%add3A, %dma_start3A_94, %dma_start3A_95] : memref<32x56x128xi32, #tpu.memory_space<hbm>> -> memref<1x56x128xi32, #tpu.memory_space<hbm>>
      %dma_start3A_97 = tpu.memref_squeeze %dma_start3A_96 : memref<1x56x128xi32, #tpu.memory_space<hbm>> -> memref<56x128xi32, #tpu.memory_space<hbm>>
      tpu.enqueue_dma source(%dma_start3A_97 : memref<56x128xi32, #tpu.memory_space<hbm>>) target(%arg5 : memref<56x128xi32, #tpu.memory_space<vmem>>) target_semaphore(%run_scoped3A : memref<!tpu.dma_semaphore, #tpu.memory_space<semaphore_mem>>)
      %dma_wait3A_98 = arith.constant 0 : i32
      %dma_wait3A_99 = arith.constant 0 : i32
      %dma_wait3A_100 = tpu.memref_slice %arg3[%add3A, %dma_wait3A_98, %dma_wait3A_99] : memref<32x56x128xi32, #tpu.memory_space<hbm>> -> memref<1x56x128xi32, #tpu.memory_space<hbm>>
      %dma_wait3A_101 = tpu.memref_squeeze %dma_wait3A_100 : memref<1x56x128xi32, #tpu.memory_space<hbm>> -> memref<56x128xi32, #tpu.memory_space<hbm>>
      %dma_wait3A_102 = arith.constant 0 : i32
      %dma_wait3A_103 = arith.constant 0 : i32
      %dma_wait3A_104 = tpu.memref_slice %arg3[%add3A, %dma_wait3A_102, %dma_wait3A_103] : memref<32x56x128xi32, #tpu.memory_space<hbm>> -> memref<1x56x128xi32, #tpu.memory_space<hbm>>
      %dma_wait3A_105 = tpu.memref_squeeze %dma_wait3A_104 : memref<1x56x128xi32, #tpu.memory_space<hbm>> -> memref<56x128xi32, #tpu.memory_space<hbm>>
      tpu.wait_dma2 semaphore(%run_scoped3A : memref<!tpu.dma_semaphore, #tpu.memory_space<semaphore_mem>>) src(%dma_wait3A_105 : memref<56x128xi32, #tpu.memory_space<hbm>>) dst(%arg5 : memref<56x128xi32, #tpu.memory_space<vmem>>)
      tpu.yield
    }) : () -> ()
    %dma_start3A = arith.constant 0 : i32
    %dma_start3A_3 = arith.constant 0 : i32
    %dma_start3A_4 = arith.constant 0 : i32
    %dma_start3A_5 = arith.constant 0 : i32
    %dma_start3A_6 = tpu.memref_slice %arg6[%dma_start3A_3, %dma_start3A_4, %dma_start3A_5] : memref<4x128x128xf32, #tpu.memory_space<vmem>> -> memref<1x128x128xf32, #tpu.memory_space<vmem>>
    %dma_start3A_7 = tpu.memref_squeeze %dma_start3A_6 : memref<1x128x128xf32, #tpu.memory_space<vmem>> -> memref<128x128xf32, #tpu.memory_space<vmem>>
    %dma_start3A_8 = arith.constant 0 : i32
    %dma_start3A_9 = tpu.memref_slice %arg5[%dma_start3A, %dma_start3A_8] : memref<56x128xi32, #tpu.memory_space<vmem>> -> memref<1x128xi32, #tpu.memory_space<vmem>>
    %dma_start3A_10 = tpu.memref_squeeze %dma_start3A_9 : memref<1x128xi32, #tpu.memory_space<vmem>> -> memref<128xi32, #tpu.memory_space<vmem>>
    %dma_start3A_11 = arith.constant 0 : i32
    %dma_start3A_12 = arith.constant 0 : i32
    %dma_start3A_13 = tpu.memref_slice %arg2[%dma_start3A_11, %dma_start3A_12] : memref<1904x128xf32, #tpu.memory_space<hbm>> -> memref<1904x128xf32, #tpu.memory_space<hbm>>
    tpu.enqueue_indirect_dma source(%dma_start3A_13 : memref<1904x128xf32, #tpu.memory_space<hbm>>) target(%dma_start3A_7 : memref<128x128xf32, #tpu.memory_space<vmem>>) offsets(%dma_start3A_10 : memref<128xi32, #tpu.memory_space<vmem>>) semaphore(%arg7 : memref<!tpu.dma_semaphore, #tpu.memory_space<semaphore_mem>>)
    %dma_start3A_14 = arith.constant 1 : i32
    %dma_start3A_15 = arith.constant 1 : i32
    %dma_start3A_16 = arith.constant 0 : i32
    %dma_start3A_17 = arith.constant 0 : i32
    %dma_start3A_18 = tpu.memref_slice %arg6[%dma_start3A_15, %dma_start3A_16, %dma_start3A_17] : memref<4x128x128xf32, #tpu.memory_space<vmem>> -> memref<1x128x128xf32, #tpu.memory_space<vmem>>
    %dma_start3A_19 = tpu.memref_squeeze %dma_start3A_18 : memref<1x128x128xf32, #tpu.memory_space<vmem>> -> memref<128x128xf32, #tpu.memory_space<vmem>>
    %dma_start3A_20 = arith.constant 0 : i32
    %dma_start3A_21 = tpu.memref_slice %arg5[%dma_start3A_14, %dma_start3A_20] : memref<56x128xi32, #tpu.memory_space<vmem>> -> memref<1x128xi32, #tpu.memory_space<vmem>>
    %dma_start3A_22 = tpu.memref_squeeze %dma_start3A_21 : memref<1x128xi32, #tpu.memory_space<vmem>> -> memref<128xi32, #tpu.memory_space<vmem>>
    %dma_start3A_23 = arith.constant 0 : i32
    %dma_start3A_24 = arith.constant 0 : i32
    %dma_start3A_25 = tpu.memref_slice %arg2[%dma_start3A_23, %dma_start3A_24] : memref<1904x128xf32, #tpu.memory_space<hbm>> -> memref<1904x128xf32, #tpu.memory_space<hbm>>
    tpu.enqueue_indirect_dma source(%dma_start3A_25 : memref<1904x128xf32, #tpu.memory_space<hbm>>) target(%dma_start3A_19 : memref<128x128xf32, #tpu.memory_space<vmem>>) offsets(%dma_start3A_22 : memref<128xi32, #tpu.memory_space<vmem>>) semaphore(%arg8 : memref<!tpu.dma_semaphore, #tpu.memory_space<semaphore_mem>>)
    %scan3A = arith.constant 0 : i32
    %scan3A_26 = arith.constant 0 : i32
    %scan3A_27 = arith.constant 14 : i32
    %scan3A_28 = arith.addi %scan3A_26, %scan3A_27 : i32
    %scan3A_29 = arith.constant 1 : i32
    scf.for %scan3A_90 = %scan3A_26 to %scan3A_28 step %scan3A_29  : i32 {
      %mul3A_91 = arith.constant 4 : i32
      %mul3A_92 = arith.muli %scan3A_90, %mul3A_91 : i32
      %add3A_93 = arith.constant 0 : i32
      %add3A_94 = arith.addi %mul3A_92, %add3A_93 : i32
      %add3A_95 = arith.constant 2 : i32
      %add3A_96 = arith.addi %add3A_94, %add3A_95 : i32
      %lt3A = arith.constant 56 : i32
      %lt3A_97 = arith.cmpi slt, %add3A_96, %lt3A : i32
      %convert_element_type3A = arith.extui %lt3A_97 : i1 to i32
      %cond3A = arith.constant 0 : i32
      %cond3A_98 = arith.cmpi ne, %convert_element_type3A, %cond3A : i32
      scf.if %cond3A_98 {
        %ge3A = arith.constant 4 : i32
        %ge3A_240 = arith.cmpi sge, %add3A_96, %ge3A : i32
        %convert_element_type3A_241 = arith.extui %ge3A_240 : i1 to i32
        %cond3A_242 = arith.constant 0 : i32
        %cond3A_243 = arith.cmpi ne, %convert_element_type3A_241, %cond3A_242 : i32
        scf.if %cond3A_243 {
          %add3A_255 = arith.constant 0 : i32
          %add3A_256 = arith.addi %mul3A_2, %add3A_255 : i32
          %dma_wait3A_257 = arith.constant 2 : i32
          %dma_wait3A_258 = arith.constant 0 : i32
          %dma_wait3A_259 = arith.constant 0 : i32
          %dma_wait3A_260 = tpu.memref_slice %arg6[%dma_wait3A_257, %dma_wait3A_258, %dma_wait3A_259] : memref<4x128x128xf32, #tpu.memory_space<vmem>> -> memref<1x128x128xf32, #tpu.memory_space<vmem>>
          %dma_wait3A_261 = tpu.memref_squeeze %dma_wait3A_260 : memref<1x128x128xf32, #tpu.memory_space<vmem>> -> memref<128x128xf32, #tpu.memory_space<vmem>>
          %dma_wait3A_262 = arith.constant 0 : i32
          %dma_wait3A_263 = tpu.memref_slice %arg4[%add3A_256, %dma_wait3A_262] : memref<229376x128xf32, #tpu.memory_space<hbm>> -> memref<128x128xf32, #tpu.memory_space<hbm>>
          %dma_wait3A_264 = arith.constant 0 : i32
          %dma_wait3A_265 = tpu.memref_slice %arg4[%add3A_256, %dma_wait3A_264] : memref<229376x128xf32, #tpu.memory_space<hbm>> -> memref<128x128xf32, #tpu.memory_space<hbm>>
          %dma_wait3A_266 = arith.constant 0 : i32
          %dma_wait3A_267 = arith.constant 0 : i32
          %dma_wait3A_268 = tpu.memref_slice %arg6[%dma_wait3A_257, %dma_wait3A_266, %dma_wait3A_267] : memref<4x128x128xf32, #tpu.memory_space<vmem>> -> memref<1x128x128xf32, #tpu.memory_space<vmem>>
          %dma_wait3A_269 = tpu.memref_squeeze %dma_wait3A_268 : memref<1x128x128xf32, #tpu.memory_space<vmem>> -> memref<128x128xf32, #tpu.memory_space<vmem>>
          tpu.wait_dma2 semaphore(%arg13 : memref<!tpu.dma_semaphore, #tpu.memory_space<semaphore_mem>>) src(%dma_wait3A_269 : memref<128x128xf32, #tpu.memory_space<vmem>>) dst(%dma_wait3A_265 : memref<128x128xf32, #tpu.memory_space<hbm>>)
        } else {
        }
        %dma_start3A_244 = arith.constant 2 : i32
        %dma_start3A_245 = arith.constant 0 : i32
        %dma_start3A_246 = arith.constant 0 : i32
        %dma_start3A_247 = tpu.memref_slice %arg6[%dma_start3A_244, %dma_start3A_245, %dma_start3A_246] : memref<4x128x128xf32, #tpu.memory_space<vmem>> -> memref<1x128x128xf32, #tpu.memory_space<vmem>>
        %dma_start3A_248 = tpu.memref_squeeze %dma_start3A_247 : memref<1x128x128xf32, #tpu.memory_space<vmem>> -> memref<128x128xf32, #tpu.memory_space<vmem>>
        %dma_start3A_249 = arith.constant 0 : i32
        %dma_start3A_250 = tpu.memref_slice %arg5[%add3A_96, %dma_start3A_249] : memref<56x128xi32, #tpu.memory_space<vmem>> -> memref<1x128xi32, #tpu.memory_space<vmem>>
        %dma_start3A_251 = tpu.memref_squeeze %dma_start3A_250 : memref<1x128xi32, #tpu.memory_space<vmem>> -> memref<128xi32, #tpu.memory_space<vmem>>
        %dma_start3A_252 = arith.constant 0 : i32
        %dma_start3A_253 = arith.constant 0 : i32
        %dma_start3A_254 = tpu.memref_slice %arg2[%dma_start3A_252, %dma_start3A_253] : memref<1904x128xf32, #tpu.memory_space<hbm>> -> memref<1904x128xf32, #tpu.memory_space<hbm>>
        tpu.enqueue_indirect_dma source(%dma_start3A_254 : memref<1904x128xf32, #tpu.memory_space<hbm>>) target(%dma_start3A_248 : memref<128x128xf32, #tpu.memory_space<vmem>>) offsets(%dma_start3A_251 : memref<128xi32, #tpu.memory_space<vmem>>) semaphore(%arg9 : memref<!tpu.dma_semaphore, #tpu.memory_space<semaphore_mem>>)
      } else {
      }
      %dma_wait3A_99 = arith.constant 0 : i32
      %dma_wait3A_100 = arith.constant 0 : i32
      %dma_wait3A_101 = arith.constant 0 : i32
      %dma_wait3A_102 = tpu.memref_slice %arg6[%dma_wait3A_99, %dma_wait3A_100, %dma_wait3A_101] : memref<4x128x128xf32, #tpu.memory_space<vmem>> -> memref<1x128x128xf32, #tpu.memory_space<vmem>>
      %dma_wait3A_103 = tpu.memref_squeeze %dma_wait3A_102 : memref<1x128x128xf32, #tpu.memory_space<vmem>> -> memref<128x128xf32, #tpu.memory_space<vmem>>
      %dma_wait3A_104 = arith.constant 0 : i32
      %dma_wait3A_105 = tpu.memref_slice %arg5[%add3A_94, %dma_wait3A_104] : memref<56x128xi32, #tpu.memory_space<vmem>> -> memref<1x128xi32, #tpu.memory_space<vmem>>
      %dma_wait3A_106 = tpu.memref_squeeze %dma_wait3A_105 : memref<1x128xi32, #tpu.memory_space<vmem>> -> memref<128xi32, #tpu.memory_space<vmem>>
      %dma_wait3A_107 = arith.constant 0 : i32
      %dma_wait3A_108 = arith.constant 0 : i32
      %dma_wait3A_109 = tpu.memref_slice %arg2[%dma_wait3A_107, %dma_wait3A_108] : memref<1904x128xf32, #tpu.memory_space<hbm>> -> memref<1904x128xf32, #tpu.memory_space<hbm>>
      tpu.wait_indirect_dma semaphore(%arg7 : memref<!tpu.dma_semaphore, #tpu.memory_space<semaphore_mem>>) src(%dma_wait3A_109 : memref<1904x128xf32, #tpu.memory_space<hbm>>) dst(%dma_wait3A_103 : memref<128x128xf32, #tpu.memory_space<vmem>>)
      %mul3A_110 = arith.constant 128 : i32
      %mul3A_111 = arith.muli %add3A_94, %mul3A_110 : i32
      %add3A_112 = arith.addi %mul3A_2, %mul3A_111 : i32
      %dma_start3A_113 = arith.constant 0 : i32
      %dma_start3A_114 = arith.constant 0 : i32
      %dma_start3A_115 = arith.constant 0 : i32
      %dma_start3A_116 = tpu.memref_slice %arg6[%dma_start3A_113, %dma_start3A_114, %dma_start3A_115] : memref<4x128x128xf32, #tpu.memory_space<vmem>> -> memref<1x128x128xf32, #tpu.memory_space<vmem>>
      %dma_start3A_117 = tpu.memref_squeeze %dma_start3A_116 : memref<1x128x128xf32, #tpu.memory_space<vmem>> -> memref<128x128xf32, #tpu.memory_space<vmem>>
      %dma_start3A_118 = arith.constant 0 : i32
      %dma_start3A_119 = tpu.memref_slice %arg4[%add3A_112, %dma_start3A_118] : memref<229376x128xf32, #tpu.memory_space<hbm>> -> memref<128x128xf32, #tpu.memory_space<hbm>>
      %dma_start3A_120 = arith.constant 0 : i32
      %dma_start3A_121 = tpu.memref_slice %arg4[%add3A_112, %dma_start3A_120] : memref<229376x128xf32, #tpu.memory_space<hbm>> -> memref<128x128xf32, #tpu.memory_space<hbm>>
      %dma_start3A_122 = arith.constant 0 : i32
      %dma_start3A_123 = arith.constant 0 : i32
      %dma_start3A_124 = tpu.memref_slice %arg6[%dma_start3A_113, %dma_start3A_122, %dma_start3A_123] : memref<4x128x128xf32, #tpu.memory_space<vmem>> -> memref<1x128x128xf32, #tpu.memory_space<vmem>>
      %dma_start3A_125 = tpu.memref_squeeze %dma_start3A_124 : memref<1x128x128xf32, #tpu.memory_space<vmem>> -> memref<128x128xf32, #tpu.memory_space<vmem>>
      tpu.enqueue_dma source(%dma_start3A_125 : memref<128x128xf32, #tpu.memory_space<vmem>>) target(%dma_start3A_121 : memref<128x128xf32, #tpu.memory_space<hbm>>) target_semaphore(%arg11 : memref<!tpu.dma_semaphore, #tpu.memory_space<semaphore_mem>>)
      %mul3A_126 = arith.constant 4 : i32
      %mul3A_127 = arith.muli %scan3A_90, %mul3A_126 : i32
      %add3A_128 = arith.constant 1 : i32
      %add3A_129 = arith.addi %mul3A_127, %add3A_128 : i32
      %add3A_130 = arith.constant 2 : i32
      %add3A_131 = arith.addi %add3A_129, %add3A_130 : i32
      %lt3A_132 = arith.constant 56 : i32
      %lt3A_133 = arith.cmpi slt, %add3A_131, %lt3A_132 : i32
      %convert_element_type3A_134 = arith.extui %lt3A_133 : i1 to i32
      %cond3A_135 = arith.constant 0 : i32
      %cond3A_136 = arith.cmpi ne, %convert_element_type3A_134, %cond3A_135 : i32
      scf.if %cond3A_136 {
        %ge3A = arith.constant 4 : i32
        %ge3A_240 = arith.cmpi sge, %add3A_131, %ge3A : i32
        %convert_element_type3A_241 = arith.extui %ge3A_240 : i1 to i32
        %cond3A_242 = arith.constant 0 : i32
        %cond3A_243 = arith.cmpi ne, %convert_element_type3A_241, %cond3A_242 : i32
        scf.if %cond3A_243 {
          %add3A_255 = arith.constant 0 : i32
          %add3A_256 = arith.addi %mul3A_2, %add3A_255 : i32
          %dma_wait3A_257 = arith.constant 3 : i32
          %dma_wait3A_258 = arith.constant 0 : i32
          %dma_wait3A_259 = arith.constant 0 : i32
          %dma_wait3A_260 = tpu.memref_slice %arg6[%dma_wait3A_257, %dma_wait3A_258, %dma_wait3A_259] : memref<4x128x128xf32, #tpu.memory_space<vmem>> -> memref<1x128x128xf32, #tpu.memory_space<vmem>>
          %dma_wait3A_261 = tpu.memref_squeeze %dma_wait3A_260 : memref<1x128x128xf32, #tpu.memory_space<vmem>> -> memref<128x128xf32, #tpu.memory_space<vmem>>
          %dma_wait3A_262 = arith.constant 0 : i32
          %dma_wait3A_263 = tpu.memref_slice %arg4[%add3A_256, %dma_wait3A_262] : memref<229376x128xf32, #tpu.memory_space<hbm>> -> memref<128x128xf32, #tpu.memory_space<hbm>>
          %dma_wait3A_264 = arith.constant 0 : i32
          %dma_wait3A_265 = tpu.memref_slice %arg4[%add3A_256, %dma_wait3A_264] : memref<229376x128xf32, #tpu.memory_space<hbm>> -> memref<128x128xf32, #tpu.memory_space<hbm>>
          %dma_wait3A_266 = arith.constant 0 : i32
          %dma_wait3A_267 = arith.constant 0 : i32
          %dma_wait3A_268 = tpu.memref_slice %arg6[%dma_wait3A_257, %dma_wait3A_266, %dma_wait3A_267] : memref<4x128x128xf32, #tpu.memory_space<vmem>> -> memref<1x128x128xf32, #tpu.memory_space<vmem>>
          %dma_wait3A_269 = tpu.memref_squeeze %dma_wait3A_268 : memref<1x128x128xf32, #tpu.memory_space<vmem>> -> memref<128x128xf32, #tpu.memory_space<vmem>>
          tpu.wait_dma2 semaphore(%arg14 : memref<!tpu.dma_semaphore, #tpu.memory_space<semaphore_mem>>) src(%dma_wait3A_269 : memref<128x128xf32, #tpu.memory_space<vmem>>) dst(%dma_wait3A_265 : memref<128x128xf32, #tpu.memory_space<hbm>>)
        } else {
        }
        %dma_start3A_244 = arith.constant 3 : i32
        %dma_start3A_245 = arith.constant 0 : i32
        %dma_start3A_246 = arith.constant 0 : i32
        %dma_start3A_247 = tpu.memref_slice %arg6[%dma_start3A_244, %dma_start3A_245, %dma_start3A_246] : memref<4x128x128xf32, #tpu.memory_space<vmem>> -> memref<1x128x128xf32, #tpu.memory_space<vmem>>
        %dma_start3A_248 = tpu.memref_squeeze %dma_start3A_247 : memref<1x128x128xf32, #tpu.memory_space<vmem>> -> memref<128x128xf32, #tpu.memory_space<vmem>>
        %dma_start3A_249 = arith.constant 0 : i32
        %dma_start3A_250 = tpu.memref_slice %arg5[%add3A_131, %dma_start3A_249] : memref<56x128xi32, #tpu.memory_space<vmem>> -> memref<1x128xi32, #tpu.memory_space<vmem>>
        %dma_start3A_251 = tpu.memref_squeeze %dma_start3A_250 : memref<1x128xi32, #tpu.memory_space<vmem>> -> memref<128xi32, #tpu.memory_space<vmem>>
        %dma_start3A_252 = arith.constant 0 : i32
        %dma_start3A_253 = arith.constant 0 : i32
        %dma_start3A_254 = tpu.memref_slice %arg2[%dma_start3A_252, %dma_start3A_253] : memref<1904x128xf32, #tpu.memory_space<hbm>> -> memref<1904x128xf32, #tpu.memory_space<hbm>>
        tpu.enqueue_indirect_dma source(%dma_start3A_254 : memref<1904x128xf32, #tpu.memory_space<hbm>>) target(%dma_start3A_248 : memref<128x128xf32, #tpu.memory_space<vmem>>) offsets(%dma_start3A_251 : memref<128xi32, #tpu.memory_space<vmem>>) semaphore(%arg10 : memref<!tpu.dma_semaphore, #tpu.memory_space<semaphore_mem>>)
      } else {
      }
      %dma_wait3A_137 = arith.constant 1 : i32
      %dma_wait3A_138 = arith.constant 0 : i32
      %dma_wait3A_139 = arith.constant 0 : i32
      %dma_wait3A_140 = tpu.memref_slice %arg6[%dma_wait3A_137, %dma_wait3A_138, %dma_wait3A_139] : memref<4x128x128xf32, #tpu.memory_space<vmem>> -> memref<1x128x128xf32, #tpu.memory_space<vmem>>
      %dma_wait3A_141 = tpu.memref_squeeze %dma_wait3A_140 : memref<1x128x128xf32, #tpu.memory_space<vmem>> -> memref<128x128xf32, #tpu.memory_space<vmem>>
      %dma_wait3A_142 = arith.constant 0 : i32
      %dma_wait3A_143 = tpu.memref_slice %arg5[%add3A_129, %dma_wait3A_142] : memref<56x128xi32, #tpu.memory_space<vmem>> -> memref<1x128xi32, #tpu.memory_space<vmem>>
      %dma_wait3A_144 = tpu.memref_squeeze %dma_wait3A_143 : memref<1x128xi32, #tpu.memory_space<vmem>> -> memref<128xi32, #tpu.memory_space<vmem>>
      %dma_wait3A_145 = arith.constant 0 : i32
      %dma_wait3A_146 = arith.constant 0 : i32
      %dma_wait3A_147 = tpu.memref_slice %arg2[%dma_wait3A_145, %dma_wait3A_146] : memref<1904x128xf32, #tpu.memory_space<hbm>> -> memref<1904x128xf32, #tpu.memory_space<hbm>>
      tpu.wait_indirect_dma semaphore(%arg8 : memref<!tpu.dma_semaphore, #tpu.memory_space<semaphore_mem>>) src(%dma_wait3A_147 : memref<1904x128xf32, #tpu.memory_space<hbm>>) dst(%dma_wait3A_141 : memref<128x128xf32, #tpu.memory_space<vmem>>)
      %mul3A_148 = arith.constant 128 : i32
      %mul3A_149 = arith.muli %add3A_129, %mul3A_148 : i32
      %add3A_150 = arith.addi %mul3A_2, %mul3A_149 : i32
      %dma_start3A_151 = arith.constant 1 : i32
      %dma_start3A_152 = arith.constant 0 : i32
      %dma_start3A_153 = arith.constant 0 : i32
      %dma_start3A_154 = tpu.memref_slice %arg6[%dma_start3A_151, %dma_start3A_152, %dma_start3A_153] : memref<4x128x128xf32, #tpu.memory_space<vmem>> -> memref<1x128x128xf32, #tpu.memory_space<vmem>>
      %dma_start3A_155 = tpu.memref_squeeze %dma_start3A_154 : memref<1x128x128xf32, #tpu.memory_space<vmem>> -> memref<128x128xf32, #tpu.memory_space<vmem>>
      %dma_start3A_156 = arith.constant 0 : i32
      %dma_start3A_157 = tpu.memref_slice %arg4[%add3A_150, %dma_start3A_156] : memref<229376x128xf32, #tpu.memory_space<hbm>> -> memref<128x128xf32, #tpu.memory_space<hbm>>
      %dma_start3A_158 = arith.constant 0 : i32
      %dma_start3A_159 = tpu.memref_slice %arg4[%add3A_150, %dma_start3A_158] : memref<229376x128xf32, #tpu.memory_space<hbm>> -> memref<128x128xf32, #tpu.memory_space<hbm>>
      %dma_start3A_160 = arith.constant 0 : i32
      %dma_start3A_161 = arith.constant 0 : i32
      %dma_start3A_162 = tpu.memref_slice %arg6[%dma_start3A_151, %dma_start3A_160, %dma_start3A_161] : memref<4x128x128xf32, #tpu.memory_space<vmem>> -> memref<1x128x128xf32, #tpu.memory_space<vmem>>
      %dma_start3A_163 = tpu.memref_squeeze %dma_start3A_162 : memref<1x128x128xf32, #tpu.memory_space<vmem>> -> memref<128x128xf32, #tpu.memory_space<vmem>>
      tpu.enqueue_dma source(%dma_start3A_163 : memref<128x128xf32, #tpu.memory_space<vmem>>) target(%dma_start3A_159 : memref<128x128xf32, #tpu.memory_space<hbm>>) target_semaphore(%arg12 : memref<!tpu.dma_semaphore, #tpu.memory_space<semaphore_mem>>)
      %mul3A_164 = arith.constant 4 : i32
      %mul3A_165 = arith.muli %scan3A_90, %mul3A_164 : i32
      %add3A_166 = arith.constant 2 : i32
      %add3A_167 = arith.addi %mul3A_165, %add3A_166 : i32
      %add3A_168 = arith.constant 2 : i32
      %add3A_169 = arith.addi %add3A_167, %add3A_168 : i32
      %lt3A_170 = arith.constant 56 : i32
      %lt3A_171 = arith.cmpi slt, %add3A_169, %lt3A_170 : i32
      %convert_element_type3A_172 = arith.extui %lt3A_171 : i1 to i32
      %cond3A_173 = arith.constant 0 : i32
      %cond3A_174 = arith.cmpi ne, %convert_element_type3A_172, %cond3A_173 : i32
      scf.if %cond3A_174 {
        %ge3A = arith.constant 4 : i32
        %ge3A_240 = arith.cmpi sge, %add3A_169, %ge3A : i32
        %convert_element_type3A_241 = arith.extui %ge3A_240 : i1 to i32
        %cond3A_242 = arith.constant 0 : i32
        %cond3A_243 = arith.cmpi ne, %convert_element_type3A_241, %cond3A_242 : i32
        scf.if %cond3A_243 {
          %add3A_255 = arith.constant 0 : i32
          %add3A_256 = arith.addi %mul3A_2, %add3A_255 : i32
          %dma_wait3A_257 = arith.constant 0 : i32
          %dma_wait3A_258 = arith.constant 0 : i32
          %dma_wait3A_259 = arith.constant 0 : i32
          %dma_wait3A_260 = tpu.memref_slice %arg6[%dma_wait3A_257, %dma_wait3A_258, %dma_wait3A_259] : memref<4x128x128xf32, #tpu.memory_space<vmem>> -> memref<1x128x128xf32, #tpu.memory_space<vmem>>
          %dma_wait3A_261 = tpu.memref_squeeze %dma_wait3A_260 : memref<1x128x128xf32, #tpu.memory_space<vmem>> -> memref<128x128xf32, #tpu.memory_space<vmem>>
          %dma_wait3A_262 = arith.constant 0 : i32
          %dma_wait3A_263 = tpu.memref_slice %arg4[%add3A_256, %dma_wait3A_262] : memref<229376x128xf32, #tpu.memory_space<hbm>> -> memref<128x128xf32, #tpu.memory_space<hbm>>
          %dma_wait3A_264 = arith.constant 0 : i32
          %dma_wait3A_265 = tpu.memref_slice %arg4[%add3A_256, %dma_wait3A_264] : memref<229376x128xf32, #tpu.memory_space<hbm>> -> memref<128x128xf32, #tpu.memory_space<hbm>>
          %dma_wait3A_266 = arith.constant 0 : i32
          %dma_wait3A_267 = arith.constant 0 : i32
          %dma_wait3A_268 = tpu.memref_slice %arg6[%dma_wait3A_257, %dma_wait3A_266, %dma_wait3A_267] : memref<4x128x128xf32, #tpu.memory_space<vmem>> -> memref<1x128x128xf32, #tpu.memory_space<vmem>>
          %dma_wait3A_269 = tpu.memref_squeeze %dma_wait3A_268 : memref<1x128x128xf32, #tpu.memory_space<vmem>> -> memref<128x128xf32, #tpu.memory_space<vmem>>
          tpu.wait_dma2 semaphore(%arg11 : memref<!tpu.dma_semaphore, #tpu.memory_space<semaphore_mem>>) src(%dma_wait3A_269 : memref<128x128xf32, #tpu.memory_space<vmem>>) dst(%dma_wait3A_265 : memref<128x128xf32, #tpu.memory_space<hbm>>)
        } else {
        }
        %dma_start3A_244 = arith.constant 0 : i32
        %dma_start3A_245 = arith.constant 0 : i32
        %dma_start3A_246 = arith.constant 0 : i32
        %dma_start3A_247 = tpu.memref_slice %arg6[%dma_start3A_244, %dma_start3A_245, %dma_start3A_246] : memref<4x128x128xf32, #tpu.memory_space<vmem>> -> memref<1x128x128xf32, #tpu.memory_space<vmem>>
        %dma_start3A_248 = tpu.memref_squeeze %dma_start3A_247 : memref<1x128x128xf32, #tpu.memory_space<vmem>> -> memref<128x128xf32, #tpu.memory_space<vmem>>
        %dma_start3A_249 = arith.constant 0 : i32
        %dma_start3A_250 = tpu.memref_slice %arg5[%add3A_169, %dma_start3A_249] : memref<56x128xi32, #tpu.memory_space<vmem>> -> memref<1x128xi32, #tpu.memory_space<vmem>>
        %dma_start3A_251 = tpu.memref_squeeze %dma_start3A_250 : memref<1x128xi32, #tpu.memory_space<vmem>> -> memref<128xi32, #tpu.memory_space<vmem>>
        %dma_start3A_252 = arith.constant 0 : i32
        %dma_start3A_253 = arith.constant 0 : i32
        %dma_start3A_254 = tpu.memref_slice %arg2[%dma_start3A_252, %dma_start3A_253] : memref<1904x128xf32, #tpu.memory_space<hbm>> -> memref<1904x128xf32, #tpu.memory_space<hbm>>
        tpu.enqueue_indirect_dma source(%dma_start3A_254 : memref<1904x128xf32, #tpu.memory_space<hbm>>) target(%dma_start3A_248 : memref<128x128xf32, #tpu.memory_space<vmem>>) offsets(%dma_start3A_251 : memref<128xi32, #tpu.memory_space<vmem>>) semaphore(%arg7 : memref<!tpu.dma_semaphore, #tpu.memory_space<semaphore_mem>>)
      } else {
      }
      %dma_wait3A_175 = arith.constant 2 : i32
      %dma_wait3A_176 = arith.constant 0 : i32
      %dma_wait3A_177 = arith.constant 0 : i32
      %dma_wait3A_178 = tpu.memref_slice %arg6[%dma_wait3A_175, %dma_wait3A_176, %dma_wait3A_177] : memref<4x128x128xf32, #tpu.memory_space<vmem>> -> memref<1x128x128xf32, #tpu.memory_space<vmem>>
      %dma_wait3A_179 = tpu.memref_squeeze %dma_wait3A_178 : memref<1x128x128xf32, #tpu.memory_space<vmem>> -> memref<128x128xf32, #tpu.memory_space<vmem>>
      %dma_wait3A_180 = arith.constant 0 : i32
      %dma_wait3A_181 = tpu.memref_slice %arg5[%add3A_167, %dma_wait3A_180] : memref<56x128xi32, #tpu.memory_space<vmem>> -> memref<1x128xi32, #tpu.memory_space<vmem>>
      %dma_wait3A_182 = tpu.memref_squeeze %dma_wait3A_181 : memref<1x128xi32, #tpu.memory_space<vmem>> -> memref<128xi32, #tpu.memory_space<vmem>>
      %dma_wait3A_183 = arith.constant 0 : i32
      %dma_wait3A_184 = arith.constant 0 : i32
      %dma_wait3A_185 = tpu.memref_slice %arg2[%dma_wait3A_183, %dma_wait3A_184] : memref<1904x128xf32, #tpu.memory_space<hbm>> -> memref<1904x128xf32, #tpu.memory_space<hbm>>
      tpu.wait_indirect_dma semaphore(%arg9 : memref<!tpu.dma_semaphore, #tpu.memory_space<semaphore_mem>>) src(%dma_wait3A_185 : memref<1904x128xf32, #tpu.memory_space<hbm>>) dst(%dma_wait3A_179 : memref<128x128xf32, #tpu.memory_space<vmem>>)
      %mul3A_186 = arith.constant 128 : i32
      %mul3A_187 = arith.muli %add3A_167, %mul3A_186 : i32
      %add3A_188 = arith.addi %mul3A_2, %mul3A_187 : i32
      %dma_start3A_189 = arith.constant 2 : i32
      %dma_start3A_190 = arith.constant 0 : i32
      %dma_start3A_191 = arith.constant 0 : i32
      %dma_start3A_192 = tpu.memref_slice %arg6[%dma_start3A_189, %dma_start3A_190, %dma_start3A_191] : memref<4x128x128xf32, #tpu.memory_space<vmem>> -> memref<1x128x128xf32, #tpu.memory_space<vmem>>
      %dma_start3A_193 = tpu.memref_squeeze %dma_start3A_192 : memref<1x128x128xf32, #tpu.memory_space<vmem>> -> memref<128x128xf32, #tpu.memory_space<vmem>>
      %dma_start3A_194 = arith.constant 0 : i32
      %dma_start3A_195 = tpu.memref_slice %arg4[%add3A_188, %dma_start3A_194] : memref<229376x128xf32, #tpu.memory_space<hbm>> -> memref<128x128xf32, #tpu.memory_space<hbm>>
      %dma_start3A_196 = arith.constant 0 : i32
      %dma_start3A_197 = tpu.memref_slice %arg4[%add3A_188, %dma_start3A_196] : memref<229376x128xf32, #tpu.memory_space<hbm>> -> memref<128x128xf32, #tpu.memory_space<hbm>>
      %dma_start3A_198 = arith.constant 0 : i32
      %dma_start3A_199 = arith.constant 0 : i32
      %dma_start3A_200 = tpu.memref_slice %arg6[%dma_start3A_189, %dma_start3A_198, %dma_start3A_199] : memref<4x128x128xf32, #tpu.memory_space<vmem>> -> memref<1x128x128xf32, #tpu.memory_space<vmem>>
      %dma_start3A_201 = tpu.memref_squeeze %dma_start3A_200 : memref<1x128x128xf32, #tpu.memory_space<vmem>> -> memref<128x128xf32, #tpu.memory_space<vmem>>
      tpu.enqueue_dma source(%dma_start3A_201 : memref<128x128xf32, #tpu.memory_space<vmem>>) target(%dma_start3A_197 : memref<128x128xf32, #tpu.memory_space<hbm>>) target_semaphore(%arg13 : memref<!tpu.dma_semaphore, #tpu.memory_space<semaphore_mem>>)
      %mul3A_202 = arith.constant 4 : i32
      %mul3A_203 = arith.muli %scan3A_90, %mul3A_202 : i32
      %add3A_204 = arith.constant 3 : i32
      %add3A_205 = arith.addi %mul3A_203, %add3A_204 : i32
      %add3A_206 = arith.constant 2 : i32
      %add3A_207 = arith.addi %add3A_205, %add3A_206 : i32
      %lt3A_208 = arith.constant 56 : i32
      %lt3A_209 = arith.cmpi slt, %add3A_207, %lt3A_208 : i32
      %convert_element_type3A_210 = arith.extui %lt3A_209 : i1 to i32
      %cond3A_211 = arith.constant 0 : i32
      %cond3A_212 = arith.cmpi ne, %convert_element_type3A_210, %cond3A_211 : i32
      scf.if %cond3A_212 {
        %ge3A = arith.constant 4 : i32
        %ge3A_240 = arith.cmpi sge, %add3A_207, %ge3A : i32
        %convert_element_type3A_241 = arith.extui %ge3A_240 : i1 to i32
        %cond3A_242 = arith.constant 0 : i32
        %cond3A_243 = arith.cmpi ne, %convert_element_type3A_241, %cond3A_242 : i32
        scf.if %cond3A_243 {
          %add3A_255 = arith.constant 0 : i32
          %add3A_256 = arith.addi %mul3A_2, %add3A_255 : i32
          %dma_wait3A_257 = arith.constant 1 : i32
          %dma_wait3A_258 = arith.constant 0 : i32
          %dma_wait3A_259 = arith.constant 0 : i32
          %dma_wait3A_260 = tpu.memref_slice %arg6[%dma_wait3A_257, %dma_wait3A_258, %dma_wait3A_259] : memref<4x128x128xf32, #tpu.memory_space<vmem>> -> memref<1x128x128xf32, #tpu.memory_space<vmem>>
          %dma_wait3A_261 = tpu.memref_squeeze %dma_wait3A_260 : memref<1x128x128xf32, #tpu.memory_space<vmem>> -> memref<128x128xf32, #tpu.memory_space<vmem>>
          %dma_wait3A_262 = arith.constant 0 : i32
          %dma_wait3A_263 = tpu.memref_slice %arg4[%add3A_256, %dma_wait3A_262] : memref<229376x128xf32, #tpu.memory_space<hbm>> -> memref<128x128xf32, #tpu.memory_space<hbm>>
          %dma_wait3A_264 = arith.constant 0 : i32
          %dma_wait3A_265 = tpu.memref_slice %arg4[%add3A_256, %dma_wait3A_264] : memref<229376x128xf32, #tpu.memory_space<hbm>> -> memref<128x128xf32, #tpu.memory_space<hbm>>
          %dma_wait3A_266 = arith.constant 0 : i32
          %dma_wait3A_267 = arith.constant 0 : i32
          %dma_wait3A_268 = tpu.memref_slice %arg6[%dma_wait3A_257, %dma_wait3A_266, %dma_wait3A_267] : memref<4x128x128xf32, #tpu.memory_space<vmem>> -> memref<1x128x128xf32, #tpu.memory_space<vmem>>
          %dma_wait3A_269 = tpu.memref_squeeze %dma_wait3A_268 : memref<1x128x128xf32, #tpu.memory_space<vmem>> -> memref<128x128xf32, #tpu.memory_space<vmem>>
          tpu.wait_dma2 semaphore(%arg12 : memref<!tpu.dma_semaphore, #tpu.memory_space<semaphore_mem>>) src(%dma_wait3A_269 : memref<128x128xf32, #tpu.memory_space<vmem>>) dst(%dma_wait3A_265 : memref<128x128xf32, #tpu.memory_space<hbm>>)
        } else {
        }
        %dma_start3A_244 = arith.constant 1 : i32
        %dma_start3A_245 = arith.constant 0 : i32
        %dma_start3A_246 = arith.constant 0 : i32
        %dma_start3A_247 = tpu.memref_slice %arg6[%dma_start3A_244, %dma_start3A_245, %dma_start3A_246] : memref<4x128x128xf32, #tpu.memory_space<vmem>> -> memref<1x128x128xf32, #tpu.memory_space<vmem>>
        %dma_start3A_248 = tpu.memref_squeeze %dma_start3A_247 : memref<1x128x128xf32, #tpu.memory_space<vmem>> -> memref<128x128xf32, #tpu.memory_space<vmem>>
        %dma_start3A_249 = arith.constant 0 : i32
        %dma_start3A_250 = tpu.memref_slice %arg5[%add3A_207, %dma_start3A_249] : memref<56x128xi32, #tpu.memory_space<vmem>> -> memref<1x128xi32, #tpu.memory_space<vmem>>
        %dma_start3A_251 = tpu.memref_squeeze %dma_start3A_250 : memref<1x128xi32, #tpu.memory_space<vmem>> -> memref<128xi32, #tpu.memory_space<vmem>>
        %dma_start3A_252 = arith.constant 0 : i32
        %dma_start3A_253 = arith.constant 0 : i32
        %dma_start3A_254 = tpu.memref_slice %arg2[%dma_start3A_252, %dma_start3A_253] : memref<1904x128xf32, #tpu.memory_space<hbm>> -> memref<1904x128xf32, #tpu.memory_space<hbm>>
        tpu.enqueue_indirect_dma source(%dma_start3A_254 : memref<1904x128xf32, #tpu.memory_space<hbm>>) target(%dma_start3A_248 : memref<128x128xf32, #tpu.memory_space<vmem>>) offsets(%dma_start3A_251 : memref<128xi32, #tpu.memory_space<vmem>>) semaphore(%arg8 : memref<!tpu.dma_semaphore, #tpu.memory_space<semaphore_mem>>)
      } else {
      }
      %dma_wait3A_213 = arith.constant 3 : i32
      %dma_wait3A_214 = arith.constant 0 : i32
      %dma_wait3A_215 = arith.constant 0 : i32
      %dma_wait3A_216 = tpu.memref_slice %arg6[%dma_wait3A_213, %dma_wait3A_214, %dma_wait3A_215] : memref<4x128x128xf32, #tpu.memory_space<vmem>> -> memref<1x128x128xf32, #tpu.memory_space<vmem>>
      %dma_wait3A_217 = tpu.memref_squeeze %dma_wait3A_216 : memref<1x128x128xf32, #tpu.memory_space<vmem>> -> memref<128x128xf32, #tpu.memory_space<vmem>>
      %dma_wait3A_218 = arith.constant 0 : i32
      %dma_wait3A_219 = tpu.memref_slice %arg5[%add3A_205, %dma_wait3A_218] : memref<56x128xi32, #tpu.memory_space<vmem>> -> memref<1x128xi32, #tpu.memory_space<vmem>>
      %dma_wait3A_220 = tpu.memref_squeeze %dma_wait3A_219 : memref<1x128xi32, #tpu.memory_space<vmem>> -> memref<128xi32, #tpu.memory_space<vmem>>
      %dma_wait3A_221 = arith.constant 0 : i32
      %dma_wait3A_222 = arith.constant 0 : i32
      %dma_wait3A_223 = tpu.memref_slice %arg2[%dma_wait3A_221, %dma_wait3A_222] : memref<1904x128xf32, #tpu.memory_space<hbm>> -> memref<1904x128xf32, #tpu.memory_space<hbm>>
      tpu.wait_indirect_dma semaphore(%arg10 : memref<!tpu.dma_semaphore, #tpu.memory_space<semaphore_mem>>) src(%dma_wait3A_223 : memref<1904x128xf32, #tpu.memory_space<hbm>>) dst(%dma_wait3A_217 : memref<128x128xf32, #tpu.memory_space<vmem>>)
      %mul3A_224 = arith.constant 128 : i32
      %mul3A_225 = arith.muli %add3A_205, %mul3A_224 : i32
      %add3A_226 = arith.addi %mul3A_2, %mul3A_225 : i32
      %dma_start3A_227 = arith.constant 3 : i32
      %dma_start3A_228 = arith.constant 0 : i32
      %dma_start3A_229 = arith.constant 0 : i32
      %dma_start3A_230 = tpu.memref_slice %arg6[%dma_start3A_227, %dma_start3A_228, %dma_start3A_229] : memref<4x128x128xf32, #tpu.memory_space<vmem>> -> memref<1x128x128xf32, #tpu.memory_space<vmem>>
      %dma_start3A_231 = tpu.memref_squeeze %dma_start3A_230 : memref<1x128x128xf32, #tpu.memory_space<vmem>> -> memref<128x128xf32, #tpu.memory_space<vmem>>
      %dma_start3A_232 = arith.constant 0 : i32
      %dma_start3A_233 = tpu.memref_slice %arg4[%add3A_226, %dma_start3A_232] : memref<229376x128xf32, #tpu.memory_space<hbm>> -> memref<128x128xf32, #tpu.memory_space<hbm>>
      %dma_start3A_234 = arith.constant 0 : i32
      %dma_start3A_235 = tpu.memref_slice %arg4[%add3A_226, %dma_start3A_234] : memref<229376x128xf32, #tpu.memory_space<hbm>> -> memref<128x128xf32, #tpu.memory_space<hbm>>
      %dma_start3A_236 = arith.constant 0 : i32
      %dma_start3A_237 = arith.constant 0 : i32
      %dma_start3A_238 = tpu.memref_slice %arg6[%dma_start3A_227, %dma_start3A_236, %dma_start3A_237] : memref<4x128x128xf32, #tpu.memory_space<vmem>> -> memref<1x128x128xf32, #tpu.memory_space<vmem>>
      %dma_start3A_239 = tpu.memref_squeeze %dma_start3A_238 : memref<1x128x128xf32, #tpu.memory_space<vmem>> -> memref<128x128xf32, #tpu.memory_space<vmem>>
      tpu.enqueue_dma source(%dma_start3A_239 : memref<128x128xf32, #tpu.memory_space<vmem>>) target(%dma_start3A_235 : memref<128x128xf32, #tpu.memory_space<hbm>>) target_semaphore(%arg14 : memref<!tpu.dma_semaphore, #tpu.memory_space<semaphore_mem>>)
    }
    %scan3A_30 = arith.constant 14 : i32
    %add3A_31 = arith.constant 0 : i32
    %add3A_32 = arith.addi %mul3A_2, %add3A_31 : i32
    %dma_wait3A = arith.constant 0 : i32
    %dma_wait3A_33 = arith.constant 0 : i32
    %dma_wait3A_34 = arith.constant 0 : i32
    %dma_wait3A_35 = tpu.memref_slice %arg6[%dma_wait3A, %dma_wait3A_33, %dma_wait3A_34] : memref<4x128x128xf32, #tpu.memory_space<vmem>> -> memref<1x128x128xf32, #tpu.memory_space<vmem>>
    %dma_wait3A_36 = tpu.memref_squeeze %dma_wait3A_35 : memref<1x128x128xf32, #tpu.memory_space<vmem>> -> memref<128x128xf32, #tpu.memory_space<vmem>>
    %dma_wait3A_37 = arith.constant 0 : i32
    %dma_wait3A_38 = tpu.memref_slice %arg4[%add3A_32, %dma_wait3A_37] : memref<229376x128xf32, #tpu.memory_space<hbm>> -> memref<128x128xf32, #tpu.memory_space<hbm>>
    %dma_wait3A_39 = arith.constant 0 : i32
    %dma_wait3A_40 = tpu.memref_slice %arg4[%add3A_32, %dma_wait3A_39] : memref<229376x128xf32, #tpu.memory_space<hbm>> -> memref<128x128xf32, #tpu.memory_space<hbm>>
    %dma_wait3A_41 = arith.constant 0 : i32
    %dma_wait3A_42 = arith.constant 0 : i32
    %dma_wait3A_43 = tpu.memref_slice %arg6[%dma_wait3A, %dma_wait3A_41, %dma_wait3A_42] : memref<4x128x128xf32, #tpu.memory_space<vmem>> -> memref<1x128x128xf32, #tpu.memory_space<vmem>>
    %dma_wait3A_44 = tpu.memref_squeeze %dma_wait3A_43 : memref<1x128x128xf32, #tpu.memory_space<vmem>> -> memref<128x128xf32, #tpu.memory_space<vmem>>
    tpu.wait_dma2 semaphore(%arg11 : memref<!tpu.dma_semaphore, #tpu.memory_space<semaphore_mem>>) src(%dma_wait3A_44 : memref<128x128xf32, #tpu.memory_space<vmem>>) dst(%dma_wait3A_40 : memref<128x128xf32, #tpu.memory_space<hbm>>)
    %add3A_45 = arith.constant 0 : i32
    %add3A_46 = arith.addi %mul3A_2, %add3A_45 : i32
    %dma_wait3A_47 = arith.constant 1 : i32
    %dma_wait3A_48 = arith.constant 0 : i32
    %dma_wait3A_49 = arith.constant 0 : i32
    %dma_wait3A_50 = tpu.memref_slice %arg6[%dma_wait3A_47, %dma_wait3A_48, %dma_wait3A_49] : memref<4x128x128xf32, #tpu.memory_space<vmem>> -> memref<1x128x128xf32, #tpu.memory_space<vmem>>
    %dma_wait3A_51 = tpu.memref_squeeze %dma_wait3A_50 : memref<1x128x128xf32, #tpu.memory_space<vmem>> -> memref<128x128xf32, #tpu.memory_space<vmem>>
    %dma_wait3A_52 = arith.constant 0 : i32
    %dma_wait3A_53 = tpu.memref_slice %arg4[%add3A_46, %dma_wait3A_52] : memref<229376x128xf32, #tpu.memory_space<hbm>> -> memref<128x128xf32, #tpu.memory_space<hbm>>
    %dma_wait3A_54 = arith.constant 0 : i32
    %dma_wait3A_55 = tpu.memref_slice %arg4[%add3A_46, %dma_wait3A_54] : memref<229376x128xf32, #tpu.memory_space<hbm>> -> memref<128x128xf32, #tpu.memory_space<hbm>>
    %dma_wait3A_56 = arith.constant 0 : i32
    %dma_wait3A_57 = arith.constant 0 : i32
    %dma_wait3A_58 = tpu.memref_slice %arg6[%dma_wait3A_47, %dma_wait3A_56, %dma_wait3A_57] : memref<4x128x128xf32, #tpu.memory_space<vmem>> -> memref<1x128x128xf32, #tpu.memory_space<vmem>>
    %dma_wait3A_59 = tpu.memref_squeeze %dma_wait3A_58 : memref<1x128x128xf32, #tpu.memory_space<vmem>> -> memref<128x128xf32, #tpu.memory_space<vmem>>
    tpu.wait_dma2 semaphore(%arg12 : memref<!tpu.dma_semaphore, #tpu.memory_space<semaphore_mem>>) src(%dma_wait3A_59 : memref<128x128xf32, #tpu.memory_space<vmem>>) dst(%dma_wait3A_55 : memref<128x128xf32, #tpu.memory_space<hbm>>)
    %add3A_60 = arith.constant 0 : i32
    %add3A_61 = arith.addi %mul3A_2, %add3A_60 : i32
    %dma_wait3A_62 = arith.constant 2 : i32
    %dma_wait3A_63 = arith.constant 0 : i32
    %dma_wait3A_64 = arith.constant 0 : i32
    %dma_wait3A_65 = tpu.memref_slice %arg6[%dma_wait3A_62, %dma_wait3A_63, %dma_wait3A_64] : memref<4x128x128xf32, #tpu.memory_space<vmem>> -> memref<1x128x128xf32, #tpu.memory_space<vmem>>
    %dma_wait3A_66 = tpu.memref_squeeze %dma_wait3A_65 : memref<1x128x128xf32, #tpu.memory_space<vmem>> -> memref<128x128xf32, #tpu.memory_space<vmem>>
    %dma_wait3A_67 = arith.constant 0 : i32
    %dma_wait3A_68 = tpu.memref_slice %arg4[%add3A_61, %dma_wait3A_67] : memref<229376x128xf32, #tpu.memory_space<hbm>> -> memref<128x128xf32, #tpu.memory_space<hbm>>
    %dma_wait3A_69 = arith.constant 0 : i32
    %dma_wait3A_70 = tpu.memref_slice %arg4[%add3A_61, %dma_wait3A_69] : memref<229376x128xf32, #tpu.memory_space<hbm>> -> memref<128x128xf32, #tpu.memory_space<hbm>>
    %dma_wait3A_71 = arith.constant 0 : i32
    %dma_wait3A_72 = arith.constant 0 : i32
    %dma_wait3A_73 = tpu.memref_slice %arg6[%dma_wait3A_62, %dma_wait3A_71, %dma_wait3A_72] : memref<4x128x128xf32, #tpu.memory_space<vmem>> -> memref<1x128x128xf32, #tpu.memory_space<vmem>>
    %dma_wait3A_74 = tpu.memref_squeeze %dma_wait3A_73 : memref<1x128x128xf32, #tpu.memory_space<vmem>> -> memref<128x128xf32, #tpu.memory_space<vmem>>
    tpu.wait_dma2 semaphore(%arg13 : memref<!tpu.dma_semaphore, #tpu.memory_space<semaphore_mem>>) src(%dma_wait3A_74 : memref<128x128xf32, #tpu.memory_space<vmem>>) dst(%dma_wait3A_70 : memref<128x128xf32, #tpu.memory_space<hbm>>)
    %add3A_75 = arith.constant 0 : i32
    %add3A_76 = arith.addi %mul3A_2, %add3A_75 : i32
    %dma_wait3A_77 = arith.constant 3 : i32
    %dma_wait3A_78 = arith.constant 0 : i32
    %dma_wait3A_79 = arith.constant 0 : i32
    %dma_wait3A_80 = tpu.memref_slice %arg6[%dma_wait3A_77, %dma_wait3A_78, %dma_wait3A_79] : memref<4x128x128xf32, #tpu.memory_space<vmem>> -> memref<1x128x128xf32, #tpu.memory_space<vmem>>
    %dma_wait3A_81 = tpu.memref_squeeze %dma_wait3A_80 : memref<1x128x128xf32, #tpu.memory_space<vmem>> -> memref<128x128xf32, #tpu.memory_space<vmem>>
    %dma_wait3A_82 = arith.constant 0 : i32
    %dma_wait3A_83 = tpu.memref_slice %arg4[%add3A_76, %dma_wait3A_82] : memref<229376x128xf32, #tpu.memory_space<hbm>> -> memref<128x128xf32, #tpu.memory_space<hbm>>
    %dma_wait3A_84 = arith.constant 0 : i32
    %dma_wait3A_85 = tpu.memref_slice %arg4[%add3A_76, %dma_wait3A_84] : memref<229376x128xf32, #tpu.memory_space<hbm>> -> memref<128x128xf32, #tpu.memory_space<hbm>>
    %dma_wait3A_86 = arith.constant 0 : i32
    %dma_wait3A_87 = arith.constant 0 : i32
    %dma_wait3A_88 = tpu.memref_slice %arg6[%dma_wait3A_77, %dma_wait3A_86, %dma_wait3A_87] : memref<4x128x128xf32, #tpu.memory_space<vmem>> -> memref<1x128x128xf32, #tpu.memory_space<vmem>>
    %dma_wait3A_89 = tpu.memref_squeeze %dma_wait3A_88 : memref<1x128x128xf32, #tpu.memory_space<vmem>> -> memref<128x128xf32, #tpu.memory_space<vmem>>
    tpu.wait_dma2 semaphore(%arg14 : memref<!tpu.dma_semaphore, #tpu.memory_space<semaphore_mem>>) src(%dma_wait3A_89 : memref<128x128xf32, #tpu.memory_space<vmem>>) dst(%dma_wait3A_85 : memref<128x128xf32, #tpu.memory_space<hbm>>)
    return
  }
}

</mosaic_0001>

<sc_bundles>
// kernel: _sc_gather.3.cloned.1.call-start
scs
__scs_entry_jumppad:
0x0: {  	(pc) =	sbr.rel $0x88, $3  }
0x1: {  	(tag) =	ssettag $0x0;
	lr =	simm.s32 $0x1  }
0x2: {  	[smem:$0x3F9F] =	sst lr;
	_ =	strace $0xD0000000  }
0x3: {  	_ = 	snop  }
0x4: {  	_ = 	snop  }
0x5: {  	_ = 	snop  }
0x6: {  	_ = 	snop  }
0x7: {  	_ = 	snop  }
__scs_overlays_trampoline_lowered:
0x8: {  	[smem:$0x3FAE] =	sst s0  }
0x9: {  	[smem:$0x3FAF] =	sst s1  }
0xa: {  	[smem:$0x3FB0] =	sst s2  }
0xb: {  	[smem:$0x3FB1] =	sst s3  }
0xc: {  	[smem:$0x3FB2] =	sst s4  }
0xd: {  	[smem:$0x3FB3] =	sst s5  }
0xe: {  	[smem:$0x3FB4] =	sst s6  }
0xf: {  	[smem:$0x3FB5] =	sst s7  }
0x10: {  	[smem:$0x3FB6] =	sst s8  }
0x11: {  	[smem:$0x3FB7] =	sst s9;
	s0 =	simm.s32 @!p0 $0x0  }
0x12: {  	s1 =	sld [smem:$0x3F9D];
	s0 =	simm.s32 @p0 $0x1  }
0x13: {  	[smem:$0x3FB8] =	sst s0;
	s0 =	simm.s32 @!p1 $0x0  }
0x14: {  	s2 =	sld [smem:$0x3F9C];
	s0 =	simm.s32 @p1 $0x1  }
0x15: {  	[smem:$0x3FB9] =	sst s0;
	s0 =	simm.s32 @!p2 $0x0  }
0x16: {  	s3 =	sld [smem:$0x3FDB];
	s0 =	simm.s32 @p2 $0x1  }
0x17: {  	s4 =	simm.s32 $0x1BF5;
	[smem:$0x3FBB] =	sst s0  }
0x18: {  	s0 =	sld [smem:$0x3F9E];
	_ =	swait.ge [sflag:s4], $0x0  }
0x19: {  	s7 =	sld [smem:$0x3F9F]  }
0x1a: {  	s8 =	sadd.s32 $0xFFFFE003, lr  }
0x1b: {  	s9 =	sadd.s32 $0xFFFFFEF7, lr;
	s5 =	simm.s32 $0xFFFFFFFF;
	p2 =	slt.u32 s8, $0xFFFFF086  }
0x1c: {  	p1 =	slt.u32 s9, $0xF7A;
	s5 =	simm.s32 @!p2 $0x0  }
0x1d: {  	s5 =	simm.s32 @p1 $0x1;
	p0 =	seq.s32 s7, s2  }
0x1e: {  	s7 =	smul.u32 @!p0 $0xF7A, s2;
	p2 =	seq.s32 @!p0 s5, $0x0  }
0x1f: {  	s9 =	smul.u32 $0xF7A, s1;
	s8 =	simm.s32 @!p0 $0x1BF5;
	p2 =	por !p2, p0  }
0x20: {  	[sflag:s8] =	ssyncset.s32 @!p0 $0xFFFFF086;
	s6 =	sadd.s32 @!p0 s3, s7;
	s7 =	simm.s32 @!p0 $0x108  }
0x21: {  	s3 =	sadd.s32 s3, s9;
	s6 =	sadd.s32 @!p0 $0x88, s6;
	s7 =	simm.s32 @p2 $0x1082  }
0x22: {  	[simem:s7], [sflag:s8] =	dma.local @!p0 [hbm:s6], $0xF7A  }
0x23: {  	s9 =	sor.u32 $0xD0000000, s2;
	s6 =	simm.s32 $0x108;
	_ =	swait.ge @!p0 [sflag:s8], $0x0  }
0x24: {  	s3 =	sadd.s32 $0x88, s3;
	s6 =	simm.s32 @!p1 $0x1082;
	[sflag:s4] =	ssyncset.s32 $0xFFFFF086  }
0x25: {  	[simem:s6], [sflag:s4] =	dma.local [hbm:s3], $0xF7A  }
0x26: {  	[smem:$0x3F9F] =	sst s1;
	(tag) =	ssettag s2;
	_ =	strace s9  }
0x27: {  	s1 =	sld [smem:$0x3FAF]  }
0x28: {  	s2 =	sld [smem:$0x3FB0]  }
0x29: {  	s4 =	sld [smem:$0x3FB2]  }
0x2a: {  	p0 =	seq.s32 s5, $0x0;
	s5 =	sld [smem:$0x3FB3]  }
0x2b: {  	s6 =	sld [smem:$0x3FB4]  }
0x2c: {  	s7 =	sld [smem:$0x3FB5]  }
0x2d: {  	s3 =	simm.s32 $0x108;
	s8 =	sld [smem:$0x3FB6]  }
0x2e: {  	s3 =	simm.s32 @!p0 $0x1082;
	s9 =	sld [smem:$0x3FB7]  }
0x2f: {  	lr =	sadd.s32 s0, s3;
	s0 =	sld [smem:$0x3FAE]  }
0x30: {  	s3 =	sld [smem:$0x3FB1]  }
0x31: {  	[smem:$0x3FBA] =	sst s10  }
0x32: {  	s10 =	sld [smem:$0x3FB8];
	_ =	sdelay $0x3  }
0x33: {  	p0 =	seq.s32 s10, $0x1;
	s10 =	sld [smem:$0x3FBA];
	_ =	sdelay $0x3  }
0x34: {  	[smem:$0x3FBA] =	sst s10  }
0x35: {  	s10 =	sld [smem:$0x3FB9];
	_ =	sdelay $0x3  }
0x36: {  	p1 =	seq.s32 s10, $0x1;
	s10 =	sld [smem:$0x3FBA];
	_ =	sdelay $0x3  }
0x37: {  	[smem:$0x3FBA] =	sst s10  }
0x38: {  	s10 =	sld [smem:$0x3FBB]  }
0x39: {  	_ = 	snop;
	(pc) =	sbr.ind lr, $3  }
0x3a: {  	_ = 	snop  }
0x3b: {  	_ = 	snop  }
0x3c: {  	p2 =	seq.s32 s10, $0x1;
	s10 =	sld [smem:$0x3FBA]  }
0x3d: {  	_ =	shalt  }
0x3e: {  	_ =	shalt  }
0x3f: {  	_ =	shalt  }
0x40: {  	_ =	shalt  }
0x41: {  	_ =	shalt  }
0x42: {  	_ =	shalt  }
0x43: {  	_ =	shalt  }
0x44: {  	_ =	shalt  }
0x45: {  	_ =	shalt  }
0x46: {  	_ =	shalt  }
0x47: {  	_ =	shalt  }
0x48: {  	_ =	shalt  }
0x49: {  	_ =	shalt  }
0x4a: {  	_ =	shalt  }
0x4b: {  	_ =	shalt  }
0x4c: {  	_ =	shalt  }
0x4d: {  	_ =	shalt  }
0x4e: {  	_ =	shalt  }
0x4f: {  	_ =	shalt  }
0x50: {  	_ =	shalt  }
0x51: {  	_ =	shalt  }
0x52: {  	_ =	shalt  }
0x53: {  	_ =	shalt  }
0x54: {  	_ =	shalt  }
0x55: {  	_ =	shalt  }
0x56: {  	_ =	shalt  }
0x57: {  	_ =	shalt  }
0x58: {  	_ =	shalt  }
0x59: {  	_ =	shalt  }
0x5a: {  	_ =	shalt  }
0x5b: {  	_ =	shalt  }
0x5c: {  	_ =	shalt  }
0x5d: {  	_ =	shalt  }
0x5e: {  	_ =	shalt  }
0x5f: {  	_ =	shalt  }
0x60: {  	_ =	shalt  }
0x61: {  	_ =	shalt  }
0x62: {  	_ =	shalt  }
0x63: {  	_ =	shalt  }
0x64: {  	_ =	shalt  }
0x65: {  	_ =	shalt  }
0x66: {  	_ =	shalt  }
0x67: {  	_ =	shalt  }
0x68: {  	_ =	shalt  }
0x69: {  	_ =	shalt  }
0x6a: {  	_ =	shalt  }
0x6b: {  	_ =	shalt  }
0x6c: {  	_ =	shalt  }
0x6d: {  	_ =	shalt  }
0x6e: {  	_ =	shalt  }
0x6f: {  	_ =	shalt  }
0x70: {  	_ =	shalt  }
0x71: {  	_ =	shalt  }
0x72: {  	_ =	shalt  }
0x73: {  	_ =	shalt  }
0x74: {  	_ =	shalt  }
0x75: {  	_ =	shalt  }
0x76: {  	_ =	shalt  }
0x77: {  	_ =	shalt  }
0x78: {  	_ =	shalt  }
0x79: {  	_ =	shalt  }
0x7a: {  	_ =	shalt  }
0x7b: {  	_ =	shalt  }
0x7c: {  	_ =	shalt  }
0x7d: {  	_ =	shalt  }
0x7e: {  	_ =	shalt  }
0x7f: {  	_ =	shalt  }
0x80: {  	_ =	shalt  }
0x81: {  	_ =	shalt  }
0x82: {  	_ =	shalt  }
0x83: {  	_ =	shalt  }
0x84: {  	_ =	shalt  }
0x85: {  	_ =	shalt  }
0x86: {  	_ =	shalt  }
0x87: {  	_ =	shalt  }
.Lfunc_end0:
.L_simem_size_0:
called_computation_lowered:
.L_overlay_start_0:
0x88: {  	s2 =	sld [smem:$0x3FD9]  }
0x89: {  	s3 =	sld [smem:$0x3FFE];
	_ =	sdelay $0x1  }
0x8a: {  	s1 =	srdreg.scid  }
0x8b: {  	s0 =	sand.u32 $0x1, s1  }
0x8c: {  	s18 =	sshll.u32 s0, $0xA;
	s2 =	sadd.s32 s3, s2  }
0x8d: {  	s2 =	sadd.s32 s2, s18  }
0x8e: {  	[smem:$0x3FC6] =	sst s2  }
0x8f: {  	_ = 	snop  }
0x90: {  	s2 =	sld [smem:$0x3FC9]  }
0x91: {  	s19 =	sld [smem:$0x3FC8]  }
0x92: {  	s4 =	sld [smem:$0x3FD0];
	(tm) =	ssettm $0x1  }
0x93: {  	s5 =	sld [smem:$0x3FFB];
	_ =	sdelay $0x3  }
0x94: {  	_ =	strace s5  }
0x95: {  	s5 =	sld [smem:$0x3FFC];
	_ =	sdelay $0x3  }
0x96: {  	_ =	strace s5  }
0x97: {  	s5 =	sld [smem:$0x3FFD];
	_ =	sdelay $0x3  }
0x98: {  	_ =	strace s5  }
0x99: {  	_ =	strace $0x8FFFFFFF  }
0x9a: {  	s20 =	sld [smem:$0x3FDB];
	_ =	sdelay $0x1  }
0x9b: {  	s6 =	simm.s32 $_scs_section_size  }
0x9c: {  	s7 =	simm.s32 $_size__tile_overlayer_lowered;
	s8 =	simm.s32 $_tile_overlayer_lowered  }
0x9d: {  	s23 =	simm.s32 $0x1BFF;
	s22 =	sshll.u32 s8, $0x1;
	s5 =	sadd.s32 s6, s20  }
0x9e: {  	s9 =	simm.s32 $0x0;
	s21 =	sshll.u32 s7, $0x1;
	s7 =	sadd.s32 s22, s5  }
0x9f: {  	[timem:s9], [sflag:s23] =	dma.local [hbm:s7], s21  }
0xa0: {  	_ =	swait.ge [sflag:s23], s21  }
0xa1: {  	s6 =	ssub.s32 $0x0, s21;
	[sflag:s23] =	ssyncset.done $0x0  }
0xa2: {  	[sflag:s23] =	ssyncadd.s32 s6;
	_ =	sdelay $0x1  }
0xa3: {  	s24 =	simm.s32 $0x1B8B  }
0xa4: {  	_ =	swait.ge [sflag:s24], $0x1  }
0xa5: {  	[sflag:s24] =	ssyncset.done $0x0  }
0xa6: {  	s25 =	simm.s32 $0x1B8E;
	[sflag:s24] =	ssyncadd.s32 $0xFFFFFFFF  }
0xa7: {  	s26 =	simm.s32 $execute0_lowered;
	[smem:$0x3FD2] =	sst s25  }
0xa8: {  	s6 =	sshll.u32 s26, $0x1;
	_ =	strace $0x80000046;
	[dreg:$0x1] =	wrdreg $0xFFFFFFFF  }
0xa9: {  	s28 =	simm.s32 $_size_execute0_lowered;
	s5 =	sadd.s32 s5, s6;
	[dreg:$0x0] =	wrdreg $0x0  }
0xaa: {  	s6 =	sshll.u32 s28, $0x1;
	[dreg:$0x2] =	wrdreg s5  }
0xab: {  	[dreg:$0x3] =	wrdreg s6  }
0xac: {  	[dreg:$0x4] =	wrdreg $0xC0  }
0xad: {  	_ =	task [dreg:s9], $0x5FFFF  }
0xae: {  	[dreg:$0x1] =	wrdreg $0xFFFFFFFF  }
0xaf: {  	[dreg:$0x0] =	wrdreg $0x60  }
0xb0: {  	[dreg:$0x2] =	wrdreg s2  }
0xb1: {  	[dreg:$0x3] =	wrdreg s19  }
0xb2: {  	[dreg:$0x4] =	wrdreg s4  }
0xb3: {  	[dreg:$0x5] =	wrdreg $0x9  }
0xb4: {  	_ =	task.clear_ibuf [dreg:s9], $0x6FFFF;
	_ =	strace $0x90000046  }
0xb5: {  	s29 =	simm.s32 $0x9;
	_ =	strace $0x80000048  }
0xb6: {  	_ =	swait.ge [sflag:s29], $0x1  }
0xb7: {  	[sflag:s29] =	ssyncadd.s32 $0xFFFFFFFF  }
0xb8: {  	_ =	strace $0x90000048  }
0xb9: {  	_ =	sfence  }
0xba: {  	s30 =	sld [smem:$0x0];
	_ =	sdelay $0x2  }
0xbb: {  	s31 =	sshll.u32 s1, $0xD;
	s1 =	sshrl.u32 s1, $0x2  }
0xbc: {  	s3 =	sand.u32 $0x4000, s31;
	s1 =	sadd.s32 s1, s30  }
0xbd: {  	s0 =	sor.u32 s3, s0;
	s1 =	sshll.u32 s1, $0x11  }
0xbe: {  	s0 =	sor.u32 s1, s0  }
0xbf: {  	s0 =	sadd.s32 $0x8F2B, s0  }
0xc0: {  	[sflag:s0] =	ssyncadd.remote.s32 $0x1  }
0xc1: {  	_ =	sfence.sel $0xFFFF  }
0xc2: {  	[dreg:$0x0] =	wrdreg $0xFFFFFFFF;
	(pc) =	sbr.abs _section_cstart, $3  }
0xc3: {  	[dreg:$0x1] =	wrdreg $0xFFFFFFFF  }
0xc4: {  	_ =	task.clear_ibuf [dreg:s9], $0x2FFFF;
	_ =	strace $0x9FFFFFFF  }
0xc5: {  	(tm) =	ssettm $0x7FFFFFFF  }
tec
execute0_lowered:
.L_overlay_start_1:
0x0: {  	(tag) =	ssettag $0x1  }
0x1: {  	s2 =	rddreg [dreg:$0x0]  }
0x2: {  	s1 =	srdreg.scid;
	s4 =	rddreg [dreg:$0x1]  }
0x3: {  	s0 =	stileid.u32;
	s8 =	rddreg [dreg:$0x2]  }
0x4: {  	s12 =	simm.s32 $0x1C00;
	s13 =	simm.s32 $0x5C00;
	s14 =	simm.s32 $0x9C00  }
0x5: {  	s15 =	simm.s32 $0x1;
	s16 =	simm.s32 $0xDC00;
	s17 =	simm.s32 $0x2  }
0x6: {  	s18 =	simm.s32 $0x3;
	s19 =	simm.s32 $0x4;
	s6 =	smul.u32 $0x38000, s0  }
0x7: {  	s22 =	simm.s32 $0x7;
	s1 =	sand.u32 $0x1, s1;
	s10 =	smul.u32 $0x1C0000, s0  }
0x8: {  	s23 =	simm.s32 $0x8;
	s3 =	sshll.u32 s0, $0x1;
	s7 =	smul.u32 $0x1C000, s1  }
0x9: {  	s3 =	sor.u32 s1, s3;
	s9 =	ssub.s32 $0x2, s1;
	s1 =	smul.u32 $0xE0000, s1  }
0xa: {  	s24 =	simm.s32 $0x0;
	s5 =	smul.u32 $0x380, s3;
	s3 =	simm.s32 $0x0  }
0xb: {  	s11 =	sshrl.u32 s9, $0x1;
	s6 =	sadd.s32 s6, s8;
	[smem:$0x7FF] =	sst s3  }
0xc: {  	s9 =	ssub.s32 s9, s11;
	s6 =	sadd.s32 s7, s6;
	s1 =	sadd.s32 s1, s10  }
0xd: {  	s11 =	simm.s32 $0x80;
	_ =	strace $0x80000047;
	s26 =	sadd.s32 s4, s5  }
0xe: {  	s28 =	smax.u32 s9, $0x1;
	s6 =	sadd.s32 $0x800, s6;
	s29 =	sor.u32 $0xC000, s1  }
0xf: {  	s30 =	sor.u32 $0x8000, s1;
	s1 =	sshrl.u32 s1, $0x3;
	[dreg:$0x4] =	wrdreg s26  }
0x10: {  	[dreg:$0x5] =	wrdreg s28;
	s31 =	sshrl.u32 s29, $0x3;
	s9 =	sshrl.u32 s30, $0x3  }
0x11: {  	s7 =	sadd.s32 s1, s8;
	s1 =	sadd.s32 s31, s8;
	s9 =	sadd.s32 s9, s8  }
.LBB2_1:
0x12: {  	s0 =	rddreg [dreg:$0x4];
	s25 =	simm.s32 $0x9  }
0x13: {  	[tilespmem:s3], [sflag:$0x9] =	stream.linear.gather [hbm4b:s0+s3], $0x1C00, $0x38;
	[tilespmem:$0x11C00] =	vst v63  }
0x14: {  	_ =	swait.ge [sflag:s25], $0x1C00  }
0x15: {  	[sflag:s25] =	ssyncset.done $0x0  }
0x16: {  	p0 =	por $0x1, $0x1;
	[sflag:s25] =	ssyncadd.s32 $0xFFFFE400  }
0x17: {  	[tilespmem:s12], [sflag:$0x1] =	stream.indirect.gather [hbm4b:s2+s11], $0x80, s3, s11, $0xb8;
	[tilespmem:$0x11C00] =	vst v63  }
0x18: {  	s8 =	simm.s32 @!p0 $0x7  }
0x19: {  	[tilespmem:s13], [sflag:$0x2] =	stream.indirect.gather [hbm4b:s2+s11], $0x80, s11, s11, $0xb8;
	[tilespmem:$0x11C00] =	vst v63  }
0x1a: {  	_ =	swait.ge @!p0 [sflag:s8], $0x4000  }
0x1b: {  	[sflag:s8] =	ssyncset.done @!p0 $0x0  }
0x1c: {  	s25 =	simm.s32 $0x100;
	[sflag:s8] =	ssyncadd.s32 @!p0 $0xFFFFC000  }
0x1d: {  	[tilespmem:s14], [sflag:$0x3] =	stream.indirect.gather [hbm4b:s2+s11], $0x80, s25, s11, $0xb8;
	[tilespmem:$0x11C00] =	vst v63  }
0x1e: {  	_ =	swait.ge [sflag:s15], $0x4000  }
0x1f: {  	[sflag:s15] =	ssyncset.done $0x0  }
0x20: {  	s8 =	simm.s32 @!p0 $0x8;
	[sflag:s15] =	ssyncadd.s32 $0xFFFFC000  }
0x21: {  	[hbm4b:s7+s3] =	stream.linear.scatter [tilespmem:s12], [sflag:$0x5], $0x4000, $0x38;
	[tilespmem:$0x11C00] =	vst v63  }
0x22: {  	_ =	swait.ge @!p0 [sflag:s8], $0x4000  }
0x23: {  	[sflag:s8] =	ssyncset.done @!p0 $0x0  }
0x24: {  	s26 =	simm.s32 $0x180;
	[sflag:s8] =	ssyncadd.s32 @!p0 $0xFFFFC000  }
0x25: {  	[tilespmem:s16], [sflag:$0x4] =	stream.indirect.gather [hbm4b:s2+s11], $0x80, s26, s11, $0xb8;
	[tilespmem:$0x11C00] =	vst v63  }
0x26: {  	_ =	swait.ge [sflag:s17], $0x4000  }
0x27: {  	p0 =	por $0x0, $0x0;
	[sflag:s17] =	ssyncset.done $0x0  }
0x28: {  	s8 =	simm.s32 @!p0 $0x5;
	[sflag:s17] =	ssyncadd.s32 $0xFFFFC000  }
0x29: {  	[hbm4b:s6+s3] =	stream.linear.scatter [tilespmem:s13], [sflag:$0x6], $0x4000, $0x38;
	[tilespmem:$0x11C00] =	vst v63  }
0x2a: {  	_ =	swait.ge @!p0 [sflag:s8], $0x4000  }
0x2b: {  	s25 =	simm.s32 @!p0 $0x200;
	[sflag:s8] =	ssyncset.done @!p0 $0x0  }
0x2c: {  	s26 =	simm.s32 @!p0 $0x80;
	s28 =	simm.s32 @!p0 $0x1C00;
	[sflag:s8] =	ssyncadd.s32 @!p0 $0xFFFFC000  }
0x2d: {  	[tilespmem:s28], [sflag:$0x1] =	stream.indirect.gather @!p0 [hbm4b:s2+s26], $0x80, s25, s26, $0xb8;
	[tilespmem:$0x11C00] =	vst v63  }
0x2e: {  	_ =	swait.ge [sflag:s18], $0x4000  }
0x2f: {  	[sflag:s18] =	ssyncset.done $0x0  }
0x30: {  	s8 =	simm.s32 @!p0 $0x6;
	[sflag:s18] =	ssyncadd.s32 $0xFFFFC000  }
0x31: {  	[hbm4b:s9+s3] =	stream.linear.scatter [tilespmem:s14], [sflag:$0x7], $0x4000, $0x38;
	[tilespmem:$0x11C00] =	vst v63  }
0x32: {  	s31 =	simm.s32 $0x1000;
	_ =	swait.ge @!p0 [sflag:s8], $0x4000  }
0x33: {  	s30 =	sadd.s32 $0x2000, s7;
	p1 =	por $0x0, $0x0;
	[sflag:s8] =	ssyncset.done @!p0 $0x0  }
0x34: {  	s29 =	simm.s32 @!p0 $0x5C00;
	s25 =	simm.s32 @!p0 $0x280;
	[sflag:s8] =	ssyncadd.s32 @!p0 $0xFFFFC000  }
0x35: {  	[tilespmem:s29], [sflag:$0x2] =	stream.indirect.gather @!p0 [hbm4b:s2+s26], $0x80, s25, s26, $0xb8;
	[tilespmem:$0x11C00] =	vst v63  }
0x36: {  	s28 =	simm.s32 $0x800;
	s8 =	smov.u32 s1;
	s26 =	sadd.s32 $0x2000, s9  }
0x37: {  	s25 =	sadd.s32 $0x2000, s1;
	s29 =	sadd.s32 $0x2000, s6;
	_ =	swait.ge [sflag:s19], $0x4000  }
.LBB2_2:
0x38: {  	s0 =	simm.s32 @!p1 $0x7  }
0x39: {  	[sflag:s19] =	ssyncset.done $0x0;
	s4 =	smov.u32 s31;
	s31 =	sadd.s32 $0x800, s31  }
0x3a: {  	p0 =	sne.s32 s31, $0x7000;
	[sflag:s19] =	ssyncadd.s32 $0xFFFFC000  }
0x3b: {  	[hbm4b:s8+s3] =	stream.linear.scatter [tilespmem:s16], [sflag:$0x8], $0x4000, $0x38;
	[tilespmem:$0x11C00] =	vst v63  }
0x3c: {  	s5 =	sshra.s32 s28, $0x2;
	s8 =	smov.u32 s25;
	_ =	swait.ge @!p1 [sflag:s0], $0x4000  }
0x3d: {  	s10 =	sadd.s32 $0x100, s5;
	[sflag:s0] =	ssyncset.done @!p1 $0x0  }
0x3e: {  	[sflag:s0] =	ssyncadd.s32 @!p1 $0xFFFFC000  }
0x3f: {  	[tilespmem:s14], [sflag:$0x3] =	stream.indirect.gather [hbm4b:s2+s11], $0x80, s10, s11, $0xb8;
	[tilespmem:$0x11C00] =	vst v63  }
0x40: {  	_ =	swait.ge [sflag:s15], $0x4000  }
0x41: {  	s0 =	simm.s32 @!p1 $0x8;
	[sflag:s15] =	ssyncset.done $0x0  }
0x42: {  	[sflag:s15] =	ssyncadd.s32 $0xFFFFC000  }
0x43: {  	[hbm4b:s30+s3] =	stream.linear.scatter [tilespmem:s12], [sflag:$0x5], $0x4000, $0x38;
	[tilespmem:$0x11C00] =	vst v63  }
0x44: {  	_ =	swait.ge @!p1 [sflag:s0], $0x4000  }
0x45: {  	s5 =	sadd.s32 $0x180, s5;
	[sflag:s0] =	ssyncset.done @!p1 $0x0  }
0x46: {  	[sflag:s0] =	ssyncadd.s32 @!p1 $0xFFFFC000  }
0x47: {  	[tilespmem:s16], [sflag:$0x4] =	stream.indirect.gather [hbm4b:s2+s11], $0x80, s5, s11, $0xb8;
	[tilespmem:$0x11C00] =	vst v63  }
0x48: {  	_ =	swait.ge [sflag:s17], $0x4000  }
0x49: {  	p1 =	seq.s32 s28, $0x6800;
	[sflag:s17] =	ssyncset.done $0x0  }
0x4a: {  	s0 =	simm.s32 @!p1 $0x5;
	s5 =	sshra.s32 @!p1 s28, $0x2;
	[sflag:s17] =	ssyncadd.s32 $0xFFFFC000  }
0x4b: {  	[hbm4b:s29+s3] =	stream.linear.scatter [tilespmem:s13], [sflag:$0x6], $0x4000, $0x38;
	[tilespmem:$0x11C00] =	vst v63  }
0x4c: {  	s10 =	sadd.s32 @!p1 $0x200, s5;
	s5 =	sadd.s32 @!p1 $0x280, s5;
	_ =	swait.ge @!p1 [sflag:s0], $0x4000  }
0x4d: {  	s20 =	simm.s32 @!p1 $0x80;
	s21 =	simm.s32 @!p1 $0x1C00;
	[sflag:s0] =	ssyncset.done @!p1 $0x0  }
0x4e: {  	s28 =	smov.u32 s4;
	[sflag:s0] =	ssyncadd.s32 @!p1 $0xFFFFC000  }
0x4f: {  	[tilespmem:s21], [sflag:$0x1] =	stream.indirect.gather @!p1 [hbm4b:s2+s20], $0x80, s10, s20, $0xb8;
	[tilespmem:$0x11C00] =	vst v63  }
0x50: {  	_ =	swait.ge [sflag:s18], $0x4000  }
0x51: {  	[sflag:s18] =	ssyncset.done $0x0  }
0x52: {  	s0 =	simm.s32 @!p1 $0x6;
	[sflag:s18] =	ssyncadd.s32 $0xFFFFC000  }
0x53: {  	[hbm4b:s26+s3] =	stream.linear.scatter [tilespmem:s14], [sflag:$0x7], $0x4000, $0x38;
	[tilespmem:$0x11C00] =	vst v63  }
.Ltmp0:
0x54: {  	_ =	swait.ge @!p1 [sflag:s0], $0x4000;
	(pc) =	sbr.rel @p0 .LBB2_2-.Ltmp0, $4  }
0x55: {  	s4 =	simm.s32 @!p1 $0x5C00;
	s26 =	sadd.s32 $0x2000, s26;
	[sflag:s0] =	ssyncset.done @!p1 $0x0  }
0x56: {  	s25 =	sadd.s32 $0x2000, s25;
	s30 =	sadd.s32 $0x2000, s30;
	[sflag:s0] =	ssyncadd.s32 @!p1 $0xFFFFC000  }
0x57: {  	[tilespmem:s4], [sflag:$0x2] =	stream.indirect.gather @!p1 [hbm4b:s2+s20], $0x80, s5, s20, $0xb8;
	[tilespmem:$0x11C00] =	vst v63  }
0x58: {  	s29 =	sadd.s32 $0x2000, s29;
	p1 =	seq.s32 s28, $0x0;
	_ =	swait.ge [sflag:s19], $0x4000  }
0x59: {  	[sflag:s19] =	ssyncset.done $0x0  }
0x5a: {  	s0 =	simm.s32 @!p1 $0x7;
	[sflag:s19] =	ssyncadd.s32 $0xFFFFC000  }
0x5b: {  	[hbm4b:s8+s3] =	stream.linear.scatter [tilespmem:s16], [sflag:$0x8], $0x4000, $0x38;
	[tilespmem:$0x11C00] =	vst v63  }
0x5c: {  	_ =	swait.ge @!p1 [sflag:s0], $0x4000  }
0x5d: {  	s4 =	sshra.s32 s28, $0x2;
	[sflag:s0] =	ssyncset.done @!p1 $0x0  }
0x5e: {  	s5 =	sadd.s32 $0x100, s4;
	[sflag:s0] =	ssyncadd.s32 @!p1 $0xFFFFC000  }
0x5f: {  	[tilespmem:s14], [sflag:$0x3] =	stream.indirect.gather [hbm4b:s2+s11], $0x80, s5, s11, $0xb8;
	[tilespmem:$0x11C00] =	vst v63  }
0x60: {  	_ =	swait.ge [sflag:s15], $0x4000  }
0x61: {  	[sflag:s15] =	ssyncset.done $0x0  }
0x62: {  	s0 =	simm.s32 @!p1 $0x8;
	[sflag:s15] =	ssyncadd.s32 $0xFFFFC000  }
0x63: {  	[hbm4b:s30+s3] =	stream.linear.scatter [tilespmem:s12], [sflag:$0x5], $0x4000, $0x38;
	[tilespmem:$0x11C00] =	vst v63  }
0x64: {  	_ =	swait.ge @!p1 [sflag:s0], $0x4000  }
0x65: {  	[sflag:s0] =	ssyncset.done @!p1 $0x0  }
0x66: {  	s4 =	sadd.s32 $0x180, s4;
	[sflag:s0] =	ssyncadd.s32 @!p1 $0xFFFFC000  }
0x67: {  	[tilespmem:s16], [sflag:$0x4] =	stream.indirect.gather [hbm4b:s2+s11], $0x80, s4, s11, $0xb8;
	[tilespmem:$0x11C00] =	vst v63  }
0x68: {  	_ =	swait.ge [sflag:s17], $0x4000  }
0x69: {  	p0 =	seq.s32 s28, $0x6800;
	[sflag:s17] =	ssyncset.done $0x0  }
0x6a: {  	s0 =	simm.s32 @!p0 $0x5;
	[sflag:s17] =	ssyncadd.s32 $0xFFFFC000  }
0x6b: {  	[hbm4b:s29+s3] =	stream.linear.scatter [tilespmem:s13], [sflag:$0x6], $0x4000, $0x38;
	[tilespmem:$0x11C00] =	vst v63  }
0x6c: {  	_ =	swait.ge @!p0 [sflag:s0], $0x4000  }
0x6d: {  	s10 =	simm.s32 @!p0 $0x1C00;
	s4 =	sshra.s32 @!p0 s28, $0x2;
	[sflag:s0] =	ssyncset.done @!p0 $0x0  }
0x6e: {  	s8 =	simm.s32 @!p0 $0x80;
	s5 =	sadd.s32 @!p0 $0x200, s4;
	[sflag:s0] =	ssyncadd.s32 @!p0 $0xFFFFC000  }
0x6f: {  	[tilespmem:s10], [sflag:$0x1] =	stream.indirect.gather @!p0 [hbm4b:s2+s8], $0x80, s5, s8, $0xb8;
	[tilespmem:$0x11C00] =	vst v63  }
0x70: {  	_ =	swait.ge [sflag:s18], $0x4000  }
0x71: {  	[sflag:s18] =	ssyncset.done $0x0  }
0x72: {  	s0 =	simm.s32 @!p0 $0x6;
	[sflag:s18] =	ssyncadd.s32 $0xFFFFC000  }
0x73: {  	[hbm4b:s26+s3] =	stream.linear.scatter [tilespmem:s14], [sflag:$0x7], $0x4000, $0x38;
	[tilespmem:$0x11C00] =	vst v63  }
0x74: {  	_ =	swait.ge @!p0 [sflag:s0], $0x4000  }
0x75: {  	[sflag:s0] =	ssyncset.done @!p0 $0x0  }
0x76: {  	s4 =	sadd.s32 @!p0 $0x280, s4;
	s5 =	simm.s32 @!p0 $0x5C00;
	[sflag:s0] =	ssyncadd.s32 @!p0 $0xFFFFC000  }
0x77: {  	[tilespmem:s5], [sflag:$0x2] =	stream.indirect.gather @!p0 [hbm4b:s2+s8], $0x80, s4, s8, $0xb8;
	[tilespmem:$0x11C00] =	vst v63  }
0x78: {  	_ =	swait.ge [sflag:s19], $0x4000  }
0x79: {  	[sflag:s19] =	ssyncset.done $0x0  }
0x7a: {  	s29 =	simm.s32 $0x5;
	[sflag:s19] =	ssyncadd.s32 $0xFFFFC000  }
0x7b: {  	[hbm4b:s25+s3] =	stream.linear.scatter [tilespmem:s16], [sflag:$0x8], $0x4000, $0x38;
	[tilespmem:$0x11C00] =	vst v63  }
0x7c: {  	_ =	swait.ge [sflag:s29], $0x4000  }
0x7d: {  	[sflag:s29] =	ssyncset.done $0x0  }
0x7e: {  	s30 =	simm.s32 $0x6;
	[sflag:s29] =	ssyncadd.s32 $0xFFFFC000  }
0x7f: {  	_ =	swait.ge [sflag:s30], $0x4000  }
0x80: {  	[sflag:s30] =	ssyncset.done $0x0  }
0x81: {  	[sflag:s30] =	ssyncadd.s32 $0xFFFFC000  }
0x82: {  	_ =	swait.ge [sflag:s22], $0x4000  }
0x83: {  	[sflag:s22] =	ssyncset.done $0x0  }
0x84: {  	[sflag:s22] =	ssyncadd.s32 $0xFFFFC000  }
0x85: {  	_ =	swait.ge [sflag:s23], $0x4000  }
0x86: {  	s24 =	sadd.s32 $0x1, s24;
	s31 =	rddreg [dreg:$0x5]  }
0x87: {  	p0 =	sne.s32 s24, s31  }
.Ltmp1:
0x88: {  	_ = 	snop;
	(pc) =	sbr.rel @p0 .LBB2_1-.Ltmp1, $3  }
0x89: {  	_ =	sdelay $0x1  }
0x8a: {  	[sflag:s23] =	ssyncset.done $0x0  }
0x8b: {  	[sflag:s23] =	ssyncadd.s32 $0xFFFFC000  }
0x8c: {  	_ =	sfence.sel $0x180000  }
0x8d: {  	[bflag:$0x0] =	sbarrier.arrive $0xFFFF  }
0x8e: {  	_ =	strace $0x90000047  }
0x8f: {  	s0 =	stileid.u32;
	[bflag:$0x2] =	sbarrier.arrive $0xFFFF  }
0x90: {  	p0 =	sne.s32 s0, $0x0;
	s0 =	rddreg [dreg:$0x3]  }
0x91: {  	s0 =	sadd.s32 @!p0 $0x100000, s0  }
0x92: {  	[sflag:s0] =	ssyncadd.tile.s32 @!p0 $0x1;
	_ =	shalt  }
.Lfunc_end2:
_tile_overlayer_lowered:
.L_overlay_start_2:
0x93: {  	(tag) =	ssettag $0x2  }
0x94: {  	s0 =	rddreg [dreg:$0x0];
	s2 =	stileid.u32  }
0x95: {  	s1 =	rddreg [dreg:$0x1];
	p0 =	sne.s32 s2, $0x0  }
0x96: {  	s3 =	rddreg [dreg:$0x2];
	[bflag:$0x3] =	sbarrier.arrive $0xFFFF;
	s2 =	simm.s32 @!p0 $0x1C09  }
0x97: {  	[timem:s3], [sflag:s2] =	dma.local @!p0 [hbm:s0], s1  }
0x98: {  	s0 =	simm.s32 @!p0 $0x9  }
0x99: {  	_ =	swait.ge @!p0 [sflag:s0], s1  }
0x9a: {  	s1 =	ssub.s32 @!p0 $0x0, s1;
	[sflag:s0] =	ssyncset.done @!p0 $0x0  }
0x9b: {  	[sflag:s0] =	ssyncadd.s32 @!p0 s1  }
0x9c: {  	[bflag:$0x3] =	sbarrier.arrive $0xFFFF  }
0x9d: {  	_ =	shalt  }

</sc_bundles>
